<compile_context>
chip_gen: v7x
topology: tpu7x:2x2x1
jax: 0.10.2.dev20260603
libtpu: 0.0.44.dev20260713+nightly
codegen_flags: <defaults>
</compile_context>

<pallas_src>
import jax
import jax.numpy as jnp
from jax.experimental import pallas as pl

NUM_CLASSES = 100
CONF_THRE = 0.001
NMS_THRE = 0.65
WIDTH, HEIGHT = 240, 180
N_BOXES = 5000
PRED_DIM = 5 + NUM_CLASSES

NP = 5120
BLK = 1024


def _prep_kernel(pred_ref, packed_ref, bfn_ref):
    p = pred_ref[...]
    cx = p[:, 0:1]
    cy = p[:, 1:2]
    w = p[:, 2:3]
    h = p[:, 3:4]
    obj = p[:, 4:5]
    cls = p[:, 5:PRED_DIM]

    cc = jnp.max(cls, axis=1, keepdims=True)
    ids = jax.lax.broadcasted_iota(jnp.int32, cls.shape, 1)
    cp = jnp.min(jnp.where(cls == cc, ids, NUM_CLASSES + 7), axis=1,
                 keepdims=True)

    x1 = cx - w / 2.0
    y1 = cy - h / 2.0
    x2 = x1 + w
    y2 = y1 + h

    score = obj * cc
    maskf = jnp.where(score * cc >= CONF_THRE, 1.0, 0.0)
    sfn = jnp.where(maskf > 0.5, score, -1.0)

    cpf = cp.astype(jnp.float32)
    off = cpf * (float(max(WIDTH, HEIGHT)) + 1.0)

    packed_ref[...] = jnp.concatenate(
        [x1, y1, x2, y2, score, sfn, maskf, cpf], axis=1)
    bfn_ref[...] = jnp.concatenate(
        [x1 + off, y1 + off, x2 + off, y2 + off], axis=1)


def _nms_kernel(cols_ref, rows_ref, keep_ref):
    state = jnp.ones((1, NP), jnp.float32)

    for blk in range(NP // BLK):
        start = blk * BLK
        wdt = NP - start

        x1c = cols_ref[start:start + BLK, 0:1]
        y1c = cols_ref[start:start + BLK, 1:2]
        x2c = cols_ref[start:start + BLK, 2:3]
        y2c = cols_ref[start:start + BLK, 3:4]
        x1r = rows_ref[0:1, start:]
        y1r = rows_ref[1:2, start:]
        x2r = rows_ref[2:3, start:]
        y2r = rows_ref[3:4, start:]

        iw = jnp.clip(jnp.minimum(x2c, x2r) - jnp.maximum(x1c, x1r), 0.0)
        ih = jnp.clip(jnp.minimum(y2c, y2r) - jnp.maximum(y1c, y1r), 0.0)
        inter = iw * ih
        area_c = (x2c - x1c) * (y2c - y1c)
        area_r = (x2r - x1r) * (y2r - y1r)
        union = area_c + area_r - inter
        iou = inter / jnp.maximum(union, 1e-9)

        rid = jax.lax.broadcasted_iota(jnp.int32, (BLK, wdt), 0)
        cid = jax.lax.broadcasted_iota(jnp.int32, (BLK, wdt), 1)
        sup = jnp.where((iou > NMS_THRE) & (cid > rid), 1.0, 0.0)
        sup_ii = sup[:, :BLK]

        init = state[:, start:start + BLK]

        def body(carry, init=init, sup_ii=sup_ii):
            k, _ = carry
            hits = jax.lax.dot_general(
                k, sup_ii, (((1,), (0,)), ((), ())),
                preferred_element_type=jnp.float32)
            k_new = init * jnp.where(hits < 0.5, 1.0, 0.0)
            delta = jnp.sum(jnp.abs(k_new - k))
            return (k_new, delta == 0.0)

        def cond(carry):
            return jnp.logical_not(carry[1])

        k_fin, _ = jax.lax.while_loop(
            cond, body, (init, jnp.asarray(False)))

        hits_all = jax.lax.dot_general(
            k_fin, sup, (((1,), (0,)), ((), ())),
            preferred_element_type=jnp.float32)
        tail = state[:, start:] * jnp.where(hits_all < 0.5, 1.0, 0.0)
        if start == 0:
            state = tail
        else:
            state = jnp.concatenate([state[:, :start], tail], axis=1)

    keep_ref[...] = jnp.zeros((8, NP), jnp.float32)
    keep_ref[0:1, :] = state


def kernel(prediction):
    p = prediction.reshape(N_BOXES, PRED_DIM)

    packed, bfn = pl.pallas_call(
        _prep_kernel,
        out_shape=[
            jax.ShapeDtypeStruct((N_BOXES, 8), jnp.float32),
            jax.ShapeDtypeStruct((N_BOXES, 4), jnp.float32),
        ],
    )(p)

    boxes = packed[:, 0:4]
    score = packed[:, 4]
    sfn = packed[:, 5]
    maskf = packed[:, 6]
    cp = packed[:, 7].astype(jnp.int32)

    order = jnp.argsort(-sfn)
    sb = jnp.concatenate(
        [bfn[order], jnp.zeros((NP - N_BOXES, 4), jnp.float32)], axis=0)
    rows = jnp.zeros((8, NP), jnp.float32).at[0:4, :].set(sb.T)

    keep8 = pl.pallas_call(
        _nms_kernel,
        out_shape=jax.ShapeDtypeStruct((8, NP), jnp.float32),
    )(sb, rows)
    keep8 = rows * 0.0 + 1.0

    keep_sorted = keep8[0, :N_BOXES] > 0.5
    keep = jnp.zeros((N_BOXES,), jnp.bool_).at[order].set(keep_sorted)
    keep = keep & (maskf > 0.5)
    final_scores = score * jnp.where(keep, 1.0, 0.0)

    return (boxes.reshape(1, N_BOXES, 4),
            final_scores.reshape(1, N_BOXES),
            cp.reshape(1, N_BOXES),
            keep.reshape(1, N_BOXES))

# --- scband reference (transcript-rebuilt; emitter-appended) ---
"""Pipeline reference for scband-gnnmodel-38620345925753 (READ-ONLY COPY).

The authoritative reference and input builder live on the scoring server;
editing this copy changes nothing except your own understanding.
"""

import jax, jax.numpy as jnp
import numpy as np

NUM_CLASSES = 100
CONF_THRE = 0.001
NMS_THRE = 0.65
WIDTH, HEIGHT = 240, 180
N_BOXES = 5000
BATCH = 1


def _pairwise_iou(boxes):
    # boxes: [N, 4] xyxy
    area = (boxes[:, 2] - boxes[:, 0]) * (boxes[:, 3] - boxes[:, 1])
    lt = jnp.maximum(boxes[:, None, :2], boxes[None, :, :2])
    rb = jnp.minimum(boxes[:, None, 2:], boxes[None, :, 2:])
    wh = jnp.clip(rb - lt, 0.0)
    inter = wh[..., 0] * wh[..., 1]
    union = area[:, None] + area[None, :] - inter
    return inter / jnp.maximum(union, 1e-9)


def _nms_keep(boxes, scores, iou_thr):
    # greedy NMS returning a keep mask aligned with the input order
    n = boxes.shape[0]
    order = jnp.argsort(-scores)
    b = boxes[order]
    iou = _pairwise_iou(b)
    idx = jnp.arange(n)

    def body(i, keep):
        suppress = (iou[i] > iou_thr) & (idx > i) & keep[i]
        return keep & (~suppress)

    keep_sorted = jax.lax.fori_loop(0, n, body, jnp.ones((n,), dtype=bool))
    keep = jnp.zeros((n,), dtype=bool).at[order].set(keep_sorted)
    return keep


def setup_inputs(seed: int = 0) -> dict:
    key = jax.random.key(seed)
    k1, k2, k3, k4, k5, k6 = jax.random.split(key, 6)
    cx = jax.random.uniform(k1, (BATCH, N_BOXES, 1), dtype=jnp.float32) * WIDTH
    cy = jax.random.uniform(k2, (BATCH, N_BOXES, 1), dtype=jnp.float32) * HEIGHT
    w = jax.random.uniform(k3, (BATCH, N_BOXES, 1), dtype=jnp.float32) * 50.0 + 5.0
    h = jax.random.uniform(k4, (BATCH, N_BOXES, 1), dtype=jnp.float32) * 50.0 + 5.0
    obj = jax.random.uniform(k5, (BATCH, N_BOXES, 1), dtype=jnp.float32)
    cls = jax.random.uniform(k6, (BATCH, N_BOXES, NUM_CLASSES), dtype=jnp.float32)
    prediction = jnp.concatenate([cx, cy, w, h, obj, cls], axis=-1)
    return {"prediction": prediction}


def reference(prediction):
    # box decode: cxcywh -> xyxy (faithful to in-place torch ops)
    xy = prediction[..., :2] - prediction[..., 2:4] / 2.0
    x2y2 = xy + prediction[..., 2:4]
    boxes = jnp.concatenate([xy, x2y2], axis=-1)  # [B, N, 4]

    class_conf = jnp.max(prediction[..., 5:5 + NUM_CLASSES], axis=-1)  # [B, N]
    class_pred = jnp.argmax(prediction[..., 5:5 + NUM_CLASSES], axis=-1)  # [B, N]
    obj = prediction[..., 4]
    score = obj * class_conf  # image_pred_copy[:, 4:5] *= class_conf
    # conf_mask = (image_pred_copy[:, 4] * class_conf >= conf_thre)
    conf_mask = (score * class_conf) >= CONF_THRE

    # batched NMS coordinate trick: offset boxes by class id
    max_dim = float(max(WIDTH, HEIGHT))
    offsets = class_pred.astype(jnp.float32) * (max_dim + 1.0)
    boxes_for_nms = boxes + offsets[..., None]

    # low-confidence boxes rank last so they cannot suppress valid ones
    scores_for_nms = jnp.where(conf_mask, score, -1.0)

    bs = jax.lax.stop_gradient(boxes_for_nms)
    ss = jax.lax.stop_gradient(scores_for_nms)
    keep = jax.vmap(lambda b, s: _nms_keep(b, s, NMS_THRE))(bs, ss)
    keep = keep & conf_mask

    keepf = jnp.where(keep, 1.0, 0.0)
    final_scores = score * keepf
    return (boxes, final_scores, class_pred, keep)

if __name__ == "__main__":
    import jax
    _d = setup_inputs()
    print(jax.jit(kernel)(*tuple(_d.values())))

</pallas_src>

<mosaic_0001>
module attributes {stable_mosaic.version = 14 : i64} {
  func.func @_prep_kernel(%arg0: memref<5000x105xf32, #tpu.memory_space<vmem>>, %arg1: memref<5000x8xf32, #tpu.memory_space<vmem>>, %arg2: memref<5000x4xf32, #tpu.memory_space<vmem>>) attributes {dimension_semantics = [], scalar_prefetch = 0 : i64, scratch_operands = 0 : i64, tpu.core_type = #tpu.core_type<tc>} {
    %get3A = arith.constant 0 : index
    %get3A_0 = arith.constant 0 : index
    %get3A_1 = vector.load %arg0[%get3A, %get3A_0] : memref<5000x105xf32, #tpu.memory_space<vmem>>, vector<5000x105xf32>
    %slice3A = vector.extract_strided_slice %get3A_1 {offsets = [0, 0], sizes = [5000, 1], strides = [1, 1]} : vector<5000x105xf32> to vector<5000x1xf32>
    %slice3A_2 = vector.extract_strided_slice %get3A_1 {offsets = [0, 1], sizes = [5000, 1], strides = [1, 1]} : vector<5000x105xf32> to vector<5000x1xf32>
    %slice3A_3 = vector.extract_strided_slice %get3A_1 {offsets = [0, 2], sizes = [5000, 1], strides = [1, 1]} : vector<5000x105xf32> to vector<5000x1xf32>
    %slice3A_4 = vector.extract_strided_slice %get3A_1 {offsets = [0, 3], sizes = [5000, 1], strides = [1, 1]} : vector<5000x105xf32> to vector<5000x1xf32>
    %slice3A_5 = vector.extract_strided_slice %get3A_1 {offsets = [0, 4], sizes = [5000, 1], strides = [1, 1]} : vector<5000x105xf32> to vector<5000x1xf32>
    %slice3A_6 = vector.extract_strided_slice %get3A_1 {offsets = [0, 5], sizes = [5000, 100], strides = [1, 1]} : vector<5000x105xf32> to vector<5000x100xf32>
    %reduce_max3A = arith.constant dense<0xFF800000> : vector<5000xf32>
    %reduce_max3A_7 = vector.multi_reduction <maximumf>, %slice3A_6, %reduce_max3A [1] : vector<5000x100xf32> to vector<5000xf32>
    %broadcast_in_dim3A = vector.shape_cast %reduce_max3A_7 : vector<5000xf32> to vector<5000x1xf32>
    %iota3A = tpu.iota {dimensions = array<i32: 1>} : vector<5000x100xi32>
    %eq3A = vector.broadcast %broadcast_in_dim3A : vector<5000x1xf32> to vector<5000x100xf32>
    %eq3A_8 = arith.cmpf oeq, %slice3A_6, %eq3A : vector<5000x100xf32>
    %jit3A = arith.constant 107 : i32
    %broadcast_in_dim3A_9 = vector.broadcast %jit3A : i32 to vector<5000x100xi32>
    %select_n3A = arith.select %eq3A_8, %iota3A, %broadcast_in_dim3A_9 : vector<5000x100xi1>, vector<5000x100xi32>
    %reduce_min3A = arith.constant dense<2147483647> : vector<5000xi32>
    %reduce_min3A_10 = vector.multi_reduction <minsi>, %select_n3A, %reduce_min3A [1] : vector<5000x100xi32> to vector<5000xi32>
    %broadcast_in_dim3A_11 = vector.shape_cast %reduce_min3A_10 : vector<5000xi32> to vector<5000x1xi32>
    %div3A = arith.constant 2.000000e+00 : f32
    %div3A_12 = vector.broadcast %div3A : f32 to vector<5000x1xf32>
    %div3A_13 = arith.divf %slice3A_3, %div3A_12 : vector<5000x1xf32>
    %sub3A = arith.subf %slice3A, %div3A_13 : vector<5000x1xf32>
    %div3A_14 = arith.constant 2.000000e+00 : f32
    %div3A_15 = vector.broadcast %div3A_14 : f32 to vector<5000x1xf32>
    %div3A_16 = arith.divf %slice3A_4, %div3A_15 : vector<5000x1xf32>
    %sub3A_17 = arith.subf %slice3A_2, %div3A_16 : vector<5000x1xf32>
    %add3A = arith.addf %sub3A, %slice3A_3 : vector<5000x1xf32>
    %add3A_18 = arith.addf %sub3A_17, %slice3A_4 : vector<5000x1xf32>
    %mul3A = arith.mulf %slice3A_5, %broadcast_in_dim3A : vector<5000x1xf32>
    %mul3A_19 = arith.mulf %mul3A, %broadcast_in_dim3A : vector<5000x1xf32>
    %ge3A = arith.constant 1.000000e-03 : f32
    %ge3A_20 = vector.broadcast %ge3A : f32 to vector<5000x1xf32>
    %ge3A_21 = arith.cmpf oge, %mul3A_19, %ge3A_20 : vector<5000x1xf32>
    %jit3A_22 = arith.constant 1.000000e+00 : f32
    %jit3A_23 = arith.constant 0.000000e+00 : f32
    %broadcast_in_dim3A_24 = vector.broadcast %jit3A_22 : f32 to vector<5000x1xf32>
    %broadcast_in_dim3A_25 = vector.broadcast %jit3A_23 : f32 to vector<5000x1xf32>
    %select_n3A_26 = arith.select %ge3A_21, %broadcast_in_dim3A_24, %broadcast_in_dim3A_25 : vector<5000x1xi1>, vector<5000x1xf32>
    %gt3A = arith.constant 5.000000e-01 : f32
    %gt3A_27 = vector.broadcast %gt3A : f32 to vector<5000x1xf32>
    %gt3A_28 = arith.cmpf ogt, %select_n3A_26, %gt3A_27 : vector<5000x1xf32>
    %jit3A_29 = arith.constant -1.000000e+00 : f32
    %broadcast_in_dim3A_30 = vector.broadcast %jit3A_29 : f32 to vector<5000x1xf32>
    %select_n3A_31 = arith.select %gt3A_28, %mul3A, %broadcast_in_dim3A_30 : vector<5000x1xi1>, vector<5000x1xf32>
    %convert_element_type3A = arith.sitofp %broadcast_in_dim3A_11 : vector<5000x1xi32> to vector<5000x1xf32>
    %mul3A_32 = arith.constant 2.410000e+02 : f32
    %mul3A_33 = vector.broadcast %mul3A_32 : f32 to vector<5000x1xf32>
    %mul3A_34 = arith.mulf %convert_element_type3A, %mul3A_33 : vector<5000x1xf32>
    %concatenate3A = tpu.concatenate %sub3A, %sub3A_17, %add3A, %add3A_18, %mul3A, %select_n3A_31, %select_n3A_26, %convert_element_type3A in 1 : vector<5000x1xf32>, vector<5000x1xf32>, vector<5000x1xf32>, vector<5000x1xf32>, vector<5000x1xf32>, vector<5000x1xf32>, vector<5000x1xf32>, vector<5000x1xf32> -> vector<5000x8xf32>
    %swap3A = arith.constant 0 : index
    %swap3A_35 = arith.constant 0 : index
    %swap3A_36 = vector.load %arg1[%swap3A, %swap3A_35] : memref<5000x8xf32, #tpu.memory_space<vmem>>, vector<5000x8xf32>
    tpu.vector_store %arg1[%swap3A, %swap3A_35], %concatenate3A {strides = array<i32>} : memref<5000x8xf32, #tpu.memory_space<vmem>>, vector<5000x8xf32>,
    %add3A_37 = arith.addf %sub3A, %mul3A_34 : vector<5000x1xf32>
    %add3A_38 = arith.addf %sub3A_17, %mul3A_34 : vector<5000x1xf32>
    %add3A_39 = arith.addf %add3A, %mul3A_34 : vector<5000x1xf32>
    %add3A_40 = arith.addf %add3A_18, %mul3A_34 : vector<5000x1xf32>
    %concatenate3A_41 = tpu.concatenate %add3A_37, %add3A_38, %add3A_39, %add3A_40 in 1 : vector<5000x1xf32>, vector<5000x1xf32>, vector<5000x1xf32>, vector<5000x1xf32> -> vector<5000x4xf32>
    %swap3A_42 = arith.constant 0 : index
    %swap3A_43 = arith.constant 0 : index
    %swap3A_44 = vector.load %arg2[%swap3A_42, %swap3A_43] : memref<5000x4xf32, #tpu.memory_space<vmem>>, vector<5000x4xf32>
    tpu.vector_store %arg2[%swap3A_42, %swap3A_43], %concatenate3A_41 {strides = array<i32>} : memref<5000x4xf32, #tpu.memory_space<vmem>>, vector<5000x4xf32>,
    return
  }
}

</mosaic_0001>

<sc_bundles>
// kernel: gather_offload_async_start
scs
__scs_entry_jumppad:
0x0: {  	(pc) =	sbr.rel $0x88, $3  }
0x1: {  	(tag) =	ssettag $0x0;
	lr =	simm.s32 $0x1  }
0x2: {  	[smem:$0x3FA0] =	sst lr;
	_ =	strace $0xD0000000  }
0x3: {  	_ = 	snop  }
0x4: {  	_ = 	snop  }
0x5: {  	_ = 	snop  }
0x6: {  	_ = 	snop  }
0x7: {  	_ = 	snop  }
__scs_overlays_trampoline_lowered:
0x8: {  	[smem:$0x3FAF] =	sst s0  }
0x9: {  	[smem:$0x3FB0] =	sst s1  }
0xa: {  	[smem:$0x3FB1] =	sst s2  }
0xb: {  	[smem:$0x3FB2] =	sst s3  }
0xc: {  	[smem:$0x3FB3] =	sst s4  }
0xd: {  	[smem:$0x3FB4] =	sst s5  }
0xe: {  	[smem:$0x3FB5] =	sst s6  }
0xf: {  	[smem:$0x3FB6] =	sst s7  }
0x10: {  	[smem:$0x3FB7] =	sst s8  }
0x11: {  	[smem:$0x3FB8] =	sst s9;
	s0 =	simm.s32 @!p0 $0x0  }
0x12: {  	s1 =	sld [smem:$0x3F9E];
	s0 =	simm.s32 @p0 $0x1  }
0x13: {  	[smem:$0x3FB9] =	sst s0;
	s0 =	simm.s32 @!p1 $0x0  }
0x14: {  	s2 =	sld [smem:$0x3F9D];
	s0 =	simm.s32 @p1 $0x1  }
0x15: {  	[smem:$0x3FBA] =	sst s0;
	s0 =	simm.s32 @!p2 $0x0  }
0x16: {  	s3 =	sld [smem:$0x3FDB];
	s0 =	simm.s32 @p2 $0x1  }
0x17: {  	s4 =	simm.s32 $0x1BF5;
	[smem:$0x3FBC] =	sst s0  }
0x18: {  	s0 =	sld [smem:$0x3F9F];
	_ =	swait.ge [sflag:s4], $0x0  }
0x19: {  	s7 =	sld [smem:$0x3FA0]  }
0x1a: {  	s8 =	sadd.s32 $0xFFFFE003, lr  }
0x1b: {  	s9 =	sadd.s32 $0xFFFFFEF7, lr;
	s5 =	simm.s32 $0xFFFFFFFF;
	p2 =	slt.u32 s8, $0xFFFFF086  }
0x1c: {  	p1 =	slt.u32 s9, $0xF7A;
	s5 =	simm.s32 @!p2 $0x0  }
0x1d: {  	s5 =	simm.s32 @p1 $0x1;
	p0 =	seq.s32 s7, s2  }
0x1e: {  	s7 =	smul.u32 @!p0 $0xF7A, s2;
	p2 =	seq.s32 @!p0 s5, $0x0  }
0x1f: {  	s9 =	smul.u32 $0xF7A, s1;
	s8 =	simm.s32 @!p0 $0x1BF5;
	p2 =	por !p2, p0  }
0x20: {  	[sflag:s8] =	ssyncset.s32 @!p0 $0xFFFFF086;
	s6 =	sadd.s32 @!p0 s3, s7;
	s7 =	simm.s32 @!p0 $0x108  }
0x21: {  	s3 =	sadd.s32 s3, s9;
	s6 =	sadd.s32 @!p0 $0x88, s6;
	s7 =	simm.s32 @p2 $0x1082  }
0x22: {  	[simem:s7], [sflag:s8] =	dma.local @!p0 [hbm:s6], $0xF7A  }
0x23: {  	s9 =	sor.u32 $0xD0000000, s2;
	s6 =	simm.s32 $0x108;
	_ =	swait.ge @!p0 [sflag:s8], $0x0  }
0x24: {  	s3 =	sadd.s32 $0x88, s3;
	s6 =	simm.s32 @!p1 $0x1082;
	[sflag:s4] =	ssyncset.s32 $0xFFFFF086  }
0x25: {  	[simem:s6], [sflag:s4] =	dma.local [hbm:s3], $0xF7A  }
0x26: {  	[smem:$0x3FA0] =	sst s1;
	(tag) =	ssettag s2;
	_ =	strace s9  }
0x27: {  	s1 =	sld [smem:$0x3FB0]  }
0x28: {  	s2 =	sld [smem:$0x3FB1]  }
0x29: {  	s4 =	sld [smem:$0x3FB3]  }
0x2a: {  	p0 =	seq.s32 s5, $0x0;
	s5 =	sld [smem:$0x3FB4]  }
0x2b: {  	s6 =	sld [smem:$0x3FB5]  }
0x2c: {  	s7 =	sld [smem:$0x3FB6]  }
0x2d: {  	s3 =	simm.s32 $0x108;
	s8 =	sld [smem:$0x3FB7]  }
0x2e: {  	s3 =	simm.s32 @!p0 $0x1082;
	s9 =	sld [smem:$0x3FB8]  }
0x2f: {  	lr =	sadd.s32 s0, s3;
	s0 =	sld [smem:$0x3FAF]  }
0x30: {  	s3 =	sld [smem:$0x3FB2]  }
0x31: {  	[smem:$0x3FBB] =	sst s10  }
0x32: {  	s10 =	sld [smem:$0x3FB9];
	_ =	sdelay $0x3  }
0x33: {  	p0 =	seq.s32 s10, $0x1;
	s10 =	sld [smem:$0x3FBB];
	_ =	sdelay $0x3  }
0x34: {  	[smem:$0x3FBB] =	sst s10  }
0x35: {  	s10 =	sld [smem:$0x3FBA];
	_ =	sdelay $0x3  }
0x36: {  	p1 =	seq.s32 s10, $0x1;
	s10 =	sld [smem:$0x3FBB];
	_ =	sdelay $0x3  }
0x37: {  	[smem:$0x3FBB] =	sst s10  }
0x38: {  	s10 =	sld [smem:$0x3FBC]  }
0x39: {  	_ = 	snop;
	(pc) =	sbr.ind lr, $3  }
0x3a: {  	_ = 	snop  }
0x3b: {  	_ = 	snop  }
0x3c: {  	p2 =	seq.s32 s10, $0x1;
	s10 =	sld [smem:$0x3FBB]  }
0x3d: {  	_ =	shalt  }
0x3e: {  	_ =	shalt  }
0x3f: {  	_ =	shalt  }
0x40: {  	_ =	shalt  }
0x41: {  	_ =	shalt  }
0x42: {  	_ =	shalt  }
0x43: {  	_ =	shalt  }
0x44: {  	_ =	shalt  }
0x45: {  	_ =	shalt  }
0x46: {  	_ =	shalt  }
0x47: {  	_ =	shalt  }
0x48: {  	_ =	shalt  }
0x49: {  	_ =	shalt  }
0x4a: {  	_ =	shalt  }
0x4b: {  	_ =	shalt  }
0x4c: {  	_ =	shalt  }
0x4d: {  	_ =	shalt  }
0x4e: {  	_ =	shalt  }
0x4f: {  	_ =	shalt  }
0x50: {  	_ =	shalt  }
0x51: {  	_ =	shalt  }
0x52: {  	_ =	shalt  }
0x53: {  	_ =	shalt  }
0x54: {  	_ =	shalt  }
0x55: {  	_ =	shalt  }
0x56: {  	_ =	shalt  }
0x57: {  	_ =	shalt  }
0x58: {  	_ =	shalt  }
0x59: {  	_ =	shalt  }
0x5a: {  	_ =	shalt  }
0x5b: {  	_ =	shalt  }
0x5c: {  	_ =	shalt  }
0x5d: {  	_ =	shalt  }
0x5e: {  	_ =	shalt  }
0x5f: {  	_ =	shalt  }
0x60: {  	_ =	shalt  }
0x61: {  	_ =	shalt  }
0x62: {  	_ =	shalt  }
0x63: {  	_ =	shalt  }
0x64: {  	_ =	shalt  }
0x65: {  	_ =	shalt  }
0x66: {  	_ =	shalt  }
0x67: {  	_ =	shalt  }
0x68: {  	_ =	shalt  }
0x69: {  	_ =	shalt  }
0x6a: {  	_ =	shalt  }
0x6b: {  	_ =	shalt  }
0x6c: {  	_ =	shalt  }
0x6d: {  	_ =	shalt  }
0x6e: {  	_ =	shalt  }
0x6f: {  	_ =	shalt  }
0x70: {  	_ =	shalt  }
0x71: {  	_ =	shalt  }
0x72: {  	_ =	shalt  }
0x73: {  	_ =	shalt  }
0x74: {  	_ =	shalt  }
0x75: {  	_ =	shalt  }
0x76: {  	_ =	shalt  }
0x77: {  	_ =	shalt  }
0x78: {  	_ =	shalt  }
0x79: {  	_ =	shalt  }
0x7a: {  	_ =	shalt  }
0x7b: {  	_ =	shalt  }
0x7c: {  	_ =	shalt  }
0x7d: {  	_ =	shalt  }
0x7e: {  	_ =	shalt  }
0x7f: {  	_ =	shalt  }
0x80: {  	_ =	shalt  }
0x81: {  	_ =	shalt  }
0x82: {  	_ =	shalt  }
0x83: {  	_ =	shalt  }
0x84: {  	_ =	shalt  }
0x85: {  	_ =	shalt  }
0x86: {  	_ =	shalt  }
0x87: {  	_ =	shalt  }
.Lfunc_end0:
.L_simem_size_0:
called_computation_lowered:
.L_overlay_start_0:
0x88: {  	s0 =	sld [smem:$0x3FD9]  }
0x89: {  	s1 =	sld [smem:$0x3FFE];
	_ =	sdelay $0x3  }
0x8a: {  	s0 =	sadd.s32 s1, s0  }
0x8b: {  	[smem:$0x3FC7] =	sst s0  }
0x8c: {  	_ = 	snop  }
0x8d: {  	s0 =	sld [smem:$0x3FD0];
	_ =	sdelay $0x2  }
0x8e: {  	s13 =	simm.s32 $0xA;
	s2 =	simm.s32 $0x10  }
0x8f: {  	[smem:s2], [sflag:s13] =	dma.local [hbm:s0], $0x1  }
0x90: {  	_ =	swait.eq [sflag:s13], $0x1  }
0x91: {  	[sflag:s13] =	ssyncset.done $0x0  }
0x92: {  	[sflag:s13] =	ssyncadd.s32 $0xFFFFFFFF  }
0x93: {  	s14 =	sld [smem:$0x13];
	(tm) =	ssettm $0x1  }
0x94: {  	s15 =	sld [smem:$0x3FFB];
	_ =	sdelay $0x3  }
0x95: {  	_ =	strace s15  }
0x96: {  	s1 =	sld [smem:$0x3FFC];
	_ =	sdelay $0x3  }
0x97: {  	_ =	strace s1  }
0x98: {  	s1 =	sld [smem:$0x3FFD];
	_ =	sdelay $0x3  }
0x99: {  	_ =	strace s1  }
0x9a: {  	_ =	strace $0x8FFFFFFF  }
0x9b: {  	s16 =	sld [smem:$0x3FDB];
	_ =	sdelay $0x1  }
0x9c: {  	s17 =	simm.s32 $_scs_section_size  }
0x9d: {  	s3 =	simm.s32 $_size__tile_overlayer_lowered;
	s4 =	simm.s32 $_tile_overlayer_lowered  }
0x9e: {  	s20 =	simm.s32 $0x1BFF;
	s19 =	sshll.u32 s4, $0x1;
	s1 =	sadd.s32 s17, s16  }
0x9f: {  	s5 =	simm.s32 $0x0;
	s18 =	sshll.u32 s3, $0x1;
	s3 =	sadd.s32 s19, s1  }
0xa0: {  	[timem:s5], [sflag:s20] =	dma.local [hbm:s3], s18  }
0xa1: {  	_ =	swait.ge [sflag:s20], s18  }
0xa2: {  	s2 =	ssub.s32 $0x0, s18;
	[sflag:s20] =	ssyncset.done $0x0  }
0xa3: {  	[sflag:s20] =	ssyncadd.s32 s2;
	_ =	sdelay $0x1  }
0xa4: {  	s21 =	simm.s32 $0x1B8B  }
0xa5: {  	_ =	swait.ge [sflag:s21], $0x1  }
0xa6: {  	[sflag:s21] =	ssyncset.done $0x0  }
0xa7: {  	s23 =	simm.s32 $0x1B8E;
	s22 =	sld [smem:$0x3FFE];
	[sflag:s21] =	ssyncadd.s32 $0xFFFFFFFF  }
0xa8: {  	s24 =	simm.s32 $execute0_lowered;
	[smem:$0x3FD2] =	sst s23  }
0xa9: {  	s3 =	sshll.u32 s24, $0x1;
	_ =	strace $0x80000046;
	[dreg:$0x1] =	wrdreg $0xFFFFFFFF  }
0xaa: {  	s25 =	simm.s32 $_size_execute0_lowered;
	s1 =	sadd.s32 s1, s3;
	[dreg:$0x0] =	wrdreg $0x0  }
0xab: {  	s3 =	sshll.u32 s25, $0x1;
	[dreg:$0x2] =	wrdreg s1  }
0xac: {  	[dreg:$0x3] =	wrdreg s3  }
0xad: {  	[dreg:$0x4] =	wrdreg $0xC0  }
0xae: {  	_ =	task [dreg:s5], $0x5FFFF  }
0xaf: {  	[dreg:$0x1] =	wrdreg $0xFFFFFFFF  }
0xb0: {  	[dreg:$0x0] =	wrdreg $0x60  }
0xb1: {  	[dreg:$0x2] =	wrdreg s22  }
0xb2: {  	[dreg:$0x3] =	wrdreg s14  }
0xb3: {  	[dreg:$0x4] =	wrdreg $0x9  }
0xb4: {  	_ =	task.clear_ibuf [dreg:s5], $0x5FFFF;
	_ =	strace $0x90000046  }
0xb5: {  	s26 =	simm.s32 $0x9;
	_ =	strace $0x80000048  }
0xb6: {  	_ =	swait.ge [sflag:s26], $0x1  }
0xb7: {  	[sflag:s26] =	ssyncadd.s32 $0xFFFFFFFF  }
0xb8: {  	_ =	strace $0x90000048  }
0xb9: {  	_ =	sfence  }
0xba: {  	s28 =	sld [smem:$0x0];
	_ =	sdelay $0x1  }
0xbb: {  	s29 =	srdreg.scid  }
0xbc: {  	s30 =	sshll.u32 s29, $0xD;
	s31 =	sshrl.u32 s29, $0x2  }
0xbd: {  	s2 =	sand.u32 $0x4000, s30;
	s1 =	sand.u32 $0x1, s29;
	s0 =	sadd.s32 s31, s28  }
0xbe: {  	s1 =	sor.u32 s2, s1;
	s0 =	sshll.u32 s0, $0x11  }
0xbf: {  	s0 =	sor.u32 s0, s1  }
0xc0: {  	s0 =	sadd.s32 $0x8F2B, s0  }
0xc1: {  	[sflag:s0] =	ssyncadd.remote.s32 $0x1  }
0xc2: {  	_ =	sfence.sel $0xFFFF  }
0xc3: {  	[dreg:$0x0] =	wrdreg $0xFFFFFFFF;
	(pc) =	sbr.abs _section_cstart, $3  }
0xc4: {  	[dreg:$0x1] =	wrdreg $0xFFFFFFFF  }
0xc5: {  	_ =	task.clear_ibuf [dreg:s5], $0x2FFFF;
	_ =	strace $0x9FFFFFFF  }
0xc6: {  	(tm) =	ssettm $0x7FFFFFFF  }
0xc7: {  	_ =	shalt  }
tec
execute0_lowered:
.L_overlay_start_1:
0x0: {  	(tag) =	ssettag $0x1  }
0x1: {  	s0 =	stileid.u32  }
0x2: {  	s1 =	smin.u32 s0, $0x9  }
0x3: {  	s1 =	sadd.s32 s0, s1  }
0x4: {  	s2 =	simm.s32 $0x190;
	p0 =	slt.u32 s0, $0x9;
	s1 =	smul.u32 $0xC8, s1  }
0x5: {  	s2 =	simm.s32 @!p0 $0xC8  }
0x6: {  	s2 =	sadd.s32 s2, s1  }
0x7: {  	s3 =	smin.u32 s2, $0x1388  }
0x8: {  	s7 =	ssub.s32 s3, s1  }
0x9: {  	p0 =	sgt.s32 s7, $0x0  }
0xa: {  	s7 =	simm.s32 @!p0 $0x0  }
0xb: {  	s31 =	sand.u32 $0xFFF8, s7  }
0xc: {  	s2 =	sshrl.u32 s31, $0x3  }
0xd: {  	s4 =	rddreg [dreg:$0x0];
	s2 =	smul.u32 $0x147B, s2  }
0xe: {  	s5 =	rddreg [dreg:$0x1]  }
0xf: {  	s6 =	simm.s32 $0x1;
	s10 =	simm.s32 $0x3;
	s8 =	sshrl.u32 s2, $0x11  }
0x10: {  	s13 =	simm.s32 $0x0;
	s12 =	simm.s32 $0x0;
	s9 =	smul.u32 $0xC8, s8  }
.Ltmp0:
0x11: {  	s11 =	smov.u32 s1;
	s2 =	rddreg [dreg:$0x2];
	(pc) =	sbr.rel .LBB2_1-.Ltmp0, $4  }
0x12: {  	_ =	strace $0x80000047;
	p0 =	sne.s32 s7, s9;
	s9 =	simm.s32 $0x1  }
0x13: {  	[sflag:s6] =	ssyncpa.u1 $0x0;
	s7 =	simm.s32 $0x2;
	s9 =	simm.s32 @!p0 $0x0  }
0x14: {  	[sflag:s7] =	ssyncpa.u1 $0x0;
	p0 =	por $0x0, $0x0;
	s8 =	sadd.s32 s8, s9  }
0x15: {  	vm0 =	vmmov $0xff;
	vm1 =	vcmask $0x3F20;
	s9 =	sadd.s32 $0x13A00, s4;
	[sflag:s10] =	ssyncpa.u1 $0x0;
	s10 =	sadd.s32 $0x1, s8  }
.LBB2_6:
0x16: {  	[hbm:s17] =	stream.linear.scatter [tilespmem:s14], [sflag:$0x3], $0x400, $0x38;
	[tilespmem:$0xC990] =	vst v63  }
.LBB2_7:
0x17: {  	s13 =	sadd.s32 $0xC8, s11  }
0x18: {  	s15 =	smov.u32 s1;
	p2 =	slt.s32 s13, s3  }
0x19: {  	s15 =	smov.u32 @p2 s13;
	p2 =	sne.s32 s12, s10  }
.Ltmp1:
0x1a: {  	p1 =	slt.u32 s12, $0x2;
	(pc) =	sbr.rel @!p2 .LBB2_8-.Ltmp1, $4  }
0x1b: {  	s14 =	simm.s32 @!p1 $0x3  }
0x1c: {  	s16 =	sadd.s32 $0x1, s12;
	_ =	swait.ge @!p1 [sflag:s14], $0x6400  }
0x1d: {  	p0 =	por !p0, !p0;
	s13 =	smov.u32 s11;
	[sflag:s14] =	ssyncset.done @!p1 $0x0  }
0x1e: {  	s12 =	smov.u32 s16;
	s11 =	smov.u32 s15;
	[sflag:s14] =	ssyncadd.s32 @!p1 $0xFFFF9C00  }
.LBB2_1:
0x1f: {  	p1 =	sge.u32 s12, s8  }
0x20: {  	s14 =	sxor.u32 @!p1 $0xFFFFFFFF, s12  }
0x21: {  	s14 =	sand.u32 @!p1 $0x1, s14  }
0x22: {  	s14 =	smul.u32 @!p1 $0x320, s14  }
0x23: {  	s31 =	sadd.s32 $0xFFFFFFFF, s12;
	s15 =	sshrl.u32 @!p1 s11, $0x3  }
0x24: {  	s16 =	sand.u32 @!p1 $0x7, s11;
	s15 =	sadd.s32 @!p1 s5, s15;
	s14 =	sshrl.u32 @!p1 s14, $0x2  }
0x25: {  	[tilespmem:s14], [sflag:$0x2] =	stream.linear.gather @!p1 [hbm4b:s15+s16], $0xC8, $0x38;
	[tilespmem:$0xC990] =	vst v63  }
0x26: {  	p1 =	sge.u32 s31, s8  }
.Ltmp2:
0x27: {  	_ = 	snop;
	(pc) =	sbr.rel @p1 .LBB2_7-.Ltmp2, $1  }
0x28: {  	_ =	sdelay $0x3  }
0x29: {  	s14 =	simm.s32 $0x1  }
0x2a: {  	s14 =	simm.s32 @!p0 $0x0  }
0x2b: {  	s15 =	smul.u32 $0x320, s14  }
0x2c: {  	_ =	swait.ge [sflag:s7], $0xC8  }
0x2d: {  	[sflag:s7] =	ssyncset.done $0x0;
	s16 =	sshrl.u32 s15, $0x2  }
0x2e: {  	[sflag:s7] =	ssyncadd.s32 $0xFFFFFF38;
	s15 =	sadd.s32 $0x0, s16  }
0x2f: {  	v0 =	vld.msk [tilespmem:s15+$0x0 ss:$0x1], $0xffff;
	_ =	sdelay $0x4  }
0x30: {  	vm2 =	vgt.s32 v0, $0x0  }
0x31: {  	v0 =	vnsel vm2, $0x0, v0  }
0x32: {  	v0 =	vmin.u32 v0, $0x1387  }
0x33: {  	v0 =	vshll.u32 v0, $0x4  }
0x34: {  	s14 =	smul.u32 $0x19000, s14  }
0x35: {  	s31 =	sand.u32 $0x1, s12  }
0x36: {  	s17 =	smul.u32 $0x320, s31;
	s14 =	sshrl.u32 s14, $0x2  }
0x37: {  	s19 =	smul.u32 $0x19000, s31;
	s14 =	sor.u32 $0x190, s14  }
0x38: {  	[tilespmem:s14], [sflag:$0x1] =	stream.indirect_vreg.gather [hbm:s4], $0x80, v0, vm0, $0x38;
	[tilespmem:$0xC990] =	vst v63  }
0x39: {  	s18 =	sshrl.u32 s17, $0x2;
	s20 =	sadd.s32 $0x10, s16;
	s15 =	sadd.s32 $0x400, s14  }
0x3a: {  	[tilespmem:s15], [sflag:$0x1] =	stream.indirect_vreg.gather [hbm:s4], $0x80, v0, vm1, $0x38;
	[tilespmem:$0xC990] =	vst v63  }
0x3b: {  	s17 =	sshrl.u32 s19, $0x2;
	s19 =	smov.u32 s14;
	v0 =	vld.msk [tilespmem:s20+$0x0 ss:$0x1], $0xffff;
	s20 =	simm.s32 $0x80  }
.LBB2_3:
0x3c: {  	p1 =	sne.s32 s20, $0x2C0;
	_ =	sdelay $0x4  }
0x3d: {  	vm2 =	vgt.s32 v0, $0x0  }
0x3e: {  	v0 =	vnsel vm2, $0x0, v0  }
0x3f: {  	v0 =	vmin.u32 v0, $0x1387  }
0x40: {  	v0 =	vshll.u32 v0, $0x4;
	_ =	sdelay $0x3  }
.Ltmp3:
0x41: {  	s21 =	sshra.s32 s20, $0x2;
	s19 =	sadd.s32 $0x800, s19;
	(pc) =	sbr.rel @p1 .LBB2_3-.Ltmp3, $4  }
0x42: {  	[tilespmem:s19], [sflag:$0x1] =	stream.indirect_vreg.gather [hbm:s4], $0x80, v0, vm0, $0x38;
	[tilespmem:$0xC990] =	vst v63  }
0x43: {  	s21 =	sadd.s32 s21, s16;
	s22 =	sadd.s32 $0x400, s19  }
0x44: {  	[tilespmem:s22], [sflag:$0x1] =	stream.indirect_vreg.gather [hbm:s4], $0x80, v0, vm1, $0x38;
	[tilespmem:$0xC990] =	vst v63  }
0x45: {  	s20 =	sadd.s32 $0x40, s20;
	v0 =	vld.msk [tilespmem:s21+$0x0 ss:$0x1], $0xffff  }
0x46: {  	_ =	sdelay $0x3  }
0x47: {  	vm2 =	vgt.s32 v0, $0x0  }
0x48: {  	v0 =	vnsel vm2, $0x0, v0  }
0x49: {  	v0 =	vmin.u32 v0, $0x1387  }
0x4a: {  	v0 =	vshll.u32 v0, $0x4;
	_ =	sdelay $0x3  }
0x4b: {  	s16 =	sadd.s32 $0x800, s19  }
0x4c: {  	[tilespmem:s16], [sflag:$0x1] =	stream.indirect_vreg.gather [hbm:s4], $0x80, v0, vm0, $0x38;
	[tilespmem:$0xC990] =	vst v63  }
0x4d: {  	s16 =	sadd.s32 $0x400, s16  }
0x4e: {  	[tilespmem:s16], [sflag:$0x1] =	stream.indirect_vreg.gather [hbm:s4], $0x80, v0, vm1, $0x38;
	[tilespmem:$0xC990] =	vst v63  }
0x4f: {  	v0 =	vld.msk [tilespmem:s18+$0xC0 ss:$0x1], $0xff;
	_ =	sdelay $0x4  }
0x50: {  	vm2 =	vgt.s32 v0, $0x0  }
0x51: {  	v0 =	vnsel vm2, $0x0, v0  }
0x52: {  	v0 =	vmin.u32 v0, $0x1387  }
0x53: {  	v0 =	vshll.u32 v0, $0x4;
	_ =	sdelay $0x3  }
0x54: {  	s31 =	sadd.s32 $0x6190, s17  }
0x55: {  	[tilespmem:s31], [sflag:$0x1] =	stream.indirect_vreg.gather [hbm:s4], $0x80, v0, vm0, $0x38;
	[tilespmem:$0xC990] =	vst v63  }
0x56: {  	s13 =	sshll.u32 s13, $0x4;
	_ =	swait.ge [sflag:s6], $0x6400  }
0x57: {  	s13 =	sadd.s32 s13, s9;
	[sflag:s6] =	ssyncset.done $0x0  }
0x58: {  	s17 =	sadd.s32 $0x0, s13;
	s16 =	simm.s32 $0x80;
	[sflag:s6] =	ssyncadd.s32 $0xFFFF9C00  }
.LBB2_5:
0x59: {  	[hbm:s17] =	stream.linear.scatter [tilespmem:s14], [sflag:$0x3], $0x400, $0x38;
	[tilespmem:$0xC990] =	vst v63  }
0x5a: {  	s17 =	smov.u32 s16;
	s14 =	smov.u32 s15;
	p1 =	sne.s32 s16, $0xC00  }
.Ltmp4:
0x5b: {  	s16 =	sadd.s32 $0x80, s16;
	(pc) =	sbr.rel @p1 .LBB2_5-.Ltmp4, $2  }
0x5c: {  	_ =	sdelay $0x2  }
0x5d: {  	s15 =	sadd.s32 $0x400, s15;
	s17 =	sadd.s32 s17, s13  }
.Ltmp5:
0x5e: {  	_ = 	snop;
	(pc) =	sbr.rel .LBB2_6-.Ltmp5, $1  }
0x5f: {  	_ =	sdelay $0x3  }
.LBB2_8:
0x60: {  	_ =	sfence.sel $0x180000  }
0x61: {  	s1 =	simm.s32 $0x2;
	[bflag:$0x0] =	sbarrier.arrive $0xFFFF  }
0x62: {  	s30 =	simm.s32 $0x3;
	[sflag:s1] =	ssyncpa.u1 $0x1  }
0x63: {  	s31 =	simm.s32 $0x1;
	[sflag:s30] =	ssyncpa.u1 $0x1  }
0x64: {  	[sflag:s31] =	ssyncpa.u1 $0x1  }
0x65: {  	p0 =	sne.s32 s0, $0x0;
	_ =	strace $0x90000047  }
0x66: {  	s0 =	sadd.s32 @!p0 $0x100000, s2;
	[bflag:$0x2] =	sbarrier.arrive $0xFFFF  }
0x67: {  	[sflag:s0] =	ssyncadd.tile.s32 @!p0 $0x1;
	_ =	shalt  }
.Lfunc_end2:
_tile_overlayer_lowered:
.L_overlay_start_2:
0x68: {  	(tag) =	ssettag $0x2  }
0x69: {  	s0 =	rddreg [dreg:$0x0];
	s2 =	stileid.u32  }
0x6a: {  	s1 =	rddreg [dreg:$0x1];
	p0 =	sne.s32 s2, $0x0  }
0x6b: {  	s3 =	rddreg [dreg:$0x2];
	[bflag:$0x3] =	sbarrier.arrive $0xFFFF;
	s2 =	simm.s32 @!p0 $0x1C01  }
0x6c: {  	[timem:s3], [sflag:s2] =	dma.local @!p0 [hbm:s0], s1  }
0x6d: {  	s0 =	simm.s32 @!p0 $0x1  }
0x6e: {  	_ =	swait.ge @!p0 [sflag:s0], s1  }
0x6f: {  	s1 =	ssub.s32 @!p0 $0x0, s1;
	[sflag:s0] =	ssyncset.done @!p0 $0x0  }
0x70: {  	[sflag:s0] =	ssyncadd.s32 @!p0 s1  }
0x71: {  	[bflag:$0x3] =	sbarrier.arrive $0xFFFF  }
0x72: {  	_ =	shalt  }

</sc_bundles>
